<compile_context>
chip_gen: v7x
topology: tpu7x:2x2x1
jax: 0.10.2.dev20260603
libtpu: 0.0.44.dev20260713+nightly
codegen_flags: <defaults>
</compile_context>

<pallas_src>
import functools

import jax
import jax.numpy as jnp
from jax import lax
from jax.experimental import pallas as pl
from jax.experimental.pallas import tpu as pltpu
from jax.experimental.pallas import tpu_sc as plsc

_VOCAB = 100000
_NUM_CAT = 26
_EMB_DIM = 32
_LAMBDA = 0.001

_LANES = 16


def _sc_hist_body(v5_hbm, hist_hbm, idbuf, hist_v, sem0, sem1, *, n_t, n_reg):
    nbt = v5_hbm.shape[2]
    wid = lax.axis_index("s") * 2 + lax.axis_index("c")

    @pl.when(wid < _NUM_CAT)
    def _():
        @plsc.parallel_loop(0, _VOCAB // _LANES, unroll=16)
        def _(j):
            hist_v[pl.ds(j * _LANES, _LANES)] = jnp.zeros((_LANES,), jnp.int32)

        sems = (sem0, sem1)
        col = n_reg + wid
        et = col // 8
        r = col % 8

        def dma(t, b):
            return pltpu.make_async_copy(
                v5_hbm.at[t, et, :, r], idbuf.at[b], sems[b]
            )

        def process(b):
            @plsc.parallel_loop(0, nbt * 8, unroll=8)
            def _(i):
                v = idbuf[b, i >> 3, pl.ds((i & 7) * _LANES, _LANES)]
                vi = v.astype(jnp.int32)
                cnt, last = plsc.scan_count(vi)
                plsc.addupdate_scatter(hist_v, [vi], cnt, mask=last)

        dma(0, 0).start()

        def outer(k, carry):
            t0 = 2 * k
            dma(t0 + 1, 1).start()
            dma(t0, 0).wait()
            process(0)
            dma(jnp.minimum(t0 + 2, n_t - 1), 0).start()
            dma(t0 + 1, 1).wait()
            process(1)
            return carry

        lax.fori_loop(0, n_t // 2, outer, 0)
        dma(n_t - 1, 0).wait()

        pltpu.sync_copy(hist_v, hist_hbm.at[wid, 0])


def _sc_hist(v5, n_t, n_reg):
    mesh = plsc.VectorSubcoreMesh(
        core_axis_name="c", subcore_axis_name="s", num_cores=2, num_subcores=16
    )
    body = functools.partial(_sc_hist_body, n_t=n_t, n_reg=n_reg)
    nbt = v5.shape[2]
    return pl.kernel(
        body,
        out_type=jax.ShapeDtypeStruct((_NUM_CAT, 1, _VOCAB), jnp.int32),
        mesh=mesh,
        scratch_types=[
            pltpu.VMEM((2, nbt, 128), jnp.float32),
            pltpu.VMEM((_VOCAB,), jnp.int32),
            pltpu.SemaphoreType.DMA,
            pltpu.SemaphoreType.DMA,
        ],
        compiler_params=pltpu.CompilerParams(needs_layout_passes=False),
    )(v5)


_KR = 16
_KS = _EMB_DIM // _KR


def _tc_w2_body(tab_ref, out_ref):
    k = pl.program_id(1)
    x = tab_ref[...]
    p = jnp.sum(x * x, axis=0, keepdims=True)[None]

    @pl.when(k == 0)
    def _():
        out_ref[...] = p

    @pl.when(k > 0)
    def _():
        out_ref[...] += p


def _tc_w2(tables2):
    return pl.pallas_call(
        _tc_w2_body,
        grid=(_NUM_CAT, _KS),
        in_specs=[
            pl.BlockSpec((_KR, _VOCAB), lambda g, k: (g * _KS + k, 0)),
        ],
        out_specs=pl.BlockSpec((1, 1, _VOCAB), lambda g, k: (g, 0, 0)),
        out_shape=jax.ShapeDtypeStruct((_NUM_CAT, 1, _VOCAB), jnp.float32),
    )(tables2)


_CC = 13


def _tc_combine_body(w2_ref, hist_ref, out_ref, *, n_total):
    g = pl.program_id(0)

    @pl.when(g == 0)
    def _():
        out_ref[0, 0] = 0.0

    h = hist_ref[:, 0].astype(jnp.float32)
    a = lax.rsqrt(h / n_total + 1e-9)
    out_ref[0, 0] += jnp.sum(a * w2_ref[:, 0])


def _tc_combine(w2, hist, n_total):
    body = functools.partial(_tc_combine_body, n_total=float(n_total))
    return pl.pallas_call(
        body,
        grid=(_NUM_CAT // _CC,),
        in_specs=[
            pl.BlockSpec((_CC, 1, _VOCAB), lambda g: (g, 0, 0)),
            pl.BlockSpec((_CC, 1, _VOCAB), lambda g: (g, 0, 0)),
        ],
        out_specs=pl.BlockSpec(memory_space=pltpu.SMEM),
        out_shape=jax.ShapeDtypeStruct((1, 1), jnp.float32),
    )(w2, hist)


def kernel(inputs, tables):
    b, t, c = inputs.shape
    n_total = b * t
    inputs_t = lax.transpose(inputs, (1, 2, 0))
    tables2 = lax.transpose(tables, (0, 2, 1)).reshape(_NUM_CAT * _EMB_DIM, _VOCAB)
    v5 = lax.transpose(
        inputs_t.reshape(t, c // 8, 8, b // 128, 128), (0, 1, 3, 2, 4)
    )
    hist = _sc_hist(v5, t, c - _NUM_CAT)
    w2 = _tc_w2(tables2)
    total = _tc_combine(w2, hist, n_total)
    loss = (_LAMBDA / _VOCAB) * total[0, 0]
    return (inputs, loss)

# --- scband reference (transcript-rebuilt; emitter-appended) ---
"""Pipeline reference for scband-frequency-aware-embedding-layer-4664334483677 (READ-ONLY COPY).

The authoritative reference and input builder live on the scoring server;
editing this copy changes nothing except your own understanding.
"""

import jax, jax.numpy as jnp
import numpy as np

VOCAB = 100000
NUM_CAT = 26
EMB_DIM = 32
INPUT_SIZE = 32
LAMBDA = 0.001
B = 4096
T = 50


def setup_inputs(seed: int = 0) -> dict:
    key = jax.random.key(seed)
    k1, k2 = jax.random.split(key)
    # all_inputs: [B, T, input_size]; categorical columns hold integer ids stored as floats
    inputs = jax.random.randint(k1, (B, T, INPUT_SIZE), 0, VOCAB).astype(jnp.float32)
    # learned embedding tables for the 26 categorical fields: [NUM_CAT, VOCAB, EMB_DIM]
    tables = jax.random.normal(k2, (NUM_CAT, VOCAB, EMB_DIM), dtype=jnp.float32) * 0.02
    return {"inputs": inputs, "tables": tables}


def reference(inputs, tables):
    # Faithful translation of FrequencyAwareEmbeddingLayer.call with training=True.
    # Forward output is the identity pass-through; the frequency-aware embedding
    # regularisation loss (add_loss in Keras) is returned as second output.
    num_regular = INPUT_SIZE - NUM_CAT
    cat_raw = inputs[:, :, num_regular:].astype(jnp.int32)
    loss_embed = jnp.asarray(0.0, dtype=jnp.float32)
    for i in range(NUM_CAT):
        ids = cat_raw[:, :, i].reshape(-1)
        # histogram over the vocabulary (scatter-add, memory bound)
        hist = jnp.bincount(ids, length=VOCAB).astype(jnp.float32)
        p = hist / (jnp.sum(hist) + 1e-09)
        inv_sqrt = jax.lax.rsqrt(p + 1e-09)
        W = tables[i]
        w_norm2 = jnp.sum(jnp.square(W), axis=1)
        reg_i = jnp.mean(inv_sqrt * w_norm2)
        loss_embed = loss_embed + reg_i
    return (inputs, LAMBDA * loss_embed)

if __name__ == "__main__":
    import jax
    _d = setup_inputs()
    print(jax.jit(kernel)(*tuple(_d.values())))

</pallas_src>

<mosaic_0001>
#map = affine_map<(d0, d1) -> (0, 0, 0, 0, 0)>
#map1 = affine_map<(d0, d1) -> (0, 0, 0)>
module attributes {stable_mosaic.version = 14 : i64} {
  func.func @_sc_hist_body(%arg0: i32, %arg1: i32, %arg2: memref<50x4x32x8x128xf32, #tpu.memory_space<hbm>>, %arg3: memref<26x1x100000xi32, #tpu.memory_space<hbm>>, %arg4: memref<2x32x128xf32, #tpu.memory_space<vmem>>, %arg5: memref<100000xi32, #tpu.memory_space<vmem>>, %arg6: memref<!tpu.dma_semaphore, #tpu.memory_space<semaphore_mem>>, %arg7: memref<!tpu.dma_semaphore, #tpu.memory_space<semaphore_mem>>) attributes {dimension_semantics = [#tpu.dimension_semantics<core_parallel>, #tpu.dimension_semantics<subcore_parallel>], iteration_bounds = array<i64: 2, 16>, scalar_prefetch = 0 : i64, scratch_operands = 4 : i64, tpu.core_type = #tpu.core_type<sc_vector_subcore>, window_params = [{transform_indices = #map}, {transform_indices = #map1}]} {
    %mul3A = arith.constant 2 : i32
    %mul3A_0 = arith.muli %arg1, %mul3A : i32
    %add3A = arith.addi %mul3A_0, %arg0 : i32
    %lt3A = arith.constant 26 : i32
    %lt3A_1 = arith.cmpi slt, %add3A, %lt3A : i32
    %convert_element_type3A = arith.extui %lt3A_1 : i1 to i32
    %cond3A = arith.constant 0 : i32
    %cond3A_2 = arith.cmpi ne, %convert_element_type3A, %cond3A : i32
    scf.if %cond3A_2 {
      %parallel_loop3A = arith.constant 0 : i32
      %parallel_loop3A_3 = arith.constant 6250 : i32
      %parallel_loop3A_4 = arith.constant 1 : i32
      scf.for %parallel_loop3A_77 = %parallel_loop3A to %parallel_loop3A_3 step %parallel_loop3A_4  : i32 {
        %parallel_loop3A_78 = arith.constant 0 : i32
        %parallel_loop3A_79 = vector.broadcast %parallel_loop3A_78 : i32 to vector<16xi32>
        %parallel_loop3A_80 = arith.constant 16 : i32
        %parallel_loop3A_81 = arith.muli %parallel_loop3A_77, %parallel_loop3A_80 : i32
        %parallel_loop3A_82 = arith.index_cast %parallel_loop3A_81 : i32 to index
        %parallel_loop3A_83 = tpu.vector_load %arg5[%parallel_loop3A_82] {strides = array<i32>} : memref<100000xi32, #tpu.memory_space<vmem>>, vector<16xi32>,
        tpu.vector_store %arg5[%parallel_loop3A_82], %parallel_loop3A_79 {strides = array<i32>} : memref<100000xi32, #tpu.memory_space<vmem>>, vector<16xi32>,
      } {sc.loop_unroll_factor = 16 : i64, sc.parallel_access}
      %add3A_5 = arith.constant 6 : i32
      %add3A_6 = arith.addi %add3A_5, %add3A : i32
      %jit3A = arith.constant 8 : i32
      %div3A = arith.divsi %add3A_6, %jit3A : i32
      %sign3A = arith.constant 0 : i32
      %sign3A_7 = arith.cmpi sgt, %add3A_6, %sign3A : i32
      %sign3A_8 = arith.extui %sign3A_7 : i1 to i32
      %sign3A_9 = arith.constant 0 : i32
      %sign3A_10 = arith.cmpi slt, %add3A_6, %sign3A_9 : i32
      %sign3A_11 = arith.extui %sign3A_10 : i1 to i32
      %sign3A_12 = arith.subi %sign3A_8, %sign3A_11 : i32
      %sign3A_13 = arith.constant 0 : i32
      %sign3A_14 = arith.cmpi sgt, %jit3A, %sign3A_13 : i32
      %sign3A_15 = arith.extui %sign3A_14 : i1 to i32
      %sign3A_16 = arith.constant 0 : i32
      %sign3A_17 = arith.cmpi slt, %jit3A, %sign3A_16 : i32
      %sign3A_18 = arith.extui %sign3A_17 : i1 to i32
      %sign3A_19 = arith.subi %sign3A_15, %sign3A_18 : i32
      %ne3A = arith.cmpi ne, %sign3A_12, %sign3A_19 : i32
      %rem3A = arith.remsi %add3A_6, %jit3A : i32
      %ne3A_20 = arith.constant 0 : i32
      %ne3A_21 = arith.cmpi ne, %rem3A, %ne3A_20 : i32
      %and3A = arith.andi %ne3A, %ne3A_21 : i1
      %sub3A = arith.constant 1 : i32
      %sub3A_22 = arith.subi %div3A, %sub3A : i32
      %select_n3A = arith.select %and3A, %sub3A_22, %div3A : i32
      %jit3A_23 = arith.constant 8 : i32
      %eq3A = arith.constant 0 : i32
      %eq3A_24 = arith.cmpi eq, %jit3A_23, %eq3A : i32
      %jit3A_25 = arith.constant 1 : i32
      %select_n3A_26 = arith.select %eq3A_24, %jit3A_25, %jit3A_23 : i32
      %rem3A_27 = arith.remsi %add3A_6, %select_n3A_26 : i32
      %ne3A_28 = arith.constant 0 : i32
      %ne3A_29 = arith.cmpi ne, %rem3A_27, %ne3A_28 : i32
      %lt3A_30 = arith.constant 0 : i32
      %lt3A_31 = arith.cmpi slt, %rem3A_27, %lt3A_30 : i32
      %lt3A_32 = arith.constant 0 : i32
      %lt3A_33 = arith.cmpi slt, %select_n3A_26, %lt3A_32 : i32
      %ne3A_34 = arith.xori %lt3A_31, %lt3A_33 : i1
      %and3A_35 = arith.andi %ne3A_34, %ne3A_29 : i1
      %add3A_36 = arith.addi %rem3A_27, %select_n3A_26 : i32
      %select_n3A_37 = arith.select %and3A_35, %add3A_36, %rem3A_27 : i32
      %dma_start3A = arith.constant 0 : i32
      %dma_start3A_38 = arith.constant 0 : i32
      %dma_start3A_39 = arith.constant 0 : i32
      %dma_start3A_40 = arith.constant 0 : i32
      %dma_start3A_41 = tpu.memref_slice %arg4[%dma_start3A_38, %dma_start3A_39, %dma_start3A_40] : memref<2x32x128xf32, #tpu.memory_space<vmem>> -> memref<1x32x128xf32, #tpu.memory_space<vmem>>
      %dma_start3A_42 = tpu.memref_squeeze %dma_start3A_41 : memref<1x32x128xf32, #tpu.memory_space<vmem>> -> memref<32x128xf32, #tpu.memory_space<vmem>>
      %dma_start3A_43 = arith.constant 0 : i32
      %dma_start3A_44 = arith.constant 0 : i32
      %dma_start3A_45 = tpu.memref_slice %arg2[%dma_start3A, %select_n3A, %dma_start3A_43, %select_n3A_37, %dma_start3A_44] : memref<50x4x32x8x128xf32, #tpu.memory_space<hbm>> -> memref<1x1x32x1x128xf32, #tpu.memory_space<hbm>>
      %dma_start3A_46 = tpu.memref_squeeze %dma_start3A_45 : memref<1x1x32x1x128xf32, #tpu.memory_space<hbm>> -> memref<32x128xf32, #tpu.memory_space<hbm>>
      %dma_start3A_47 = arith.constant 0 : i32
      %dma_start3A_48 = arith.constant 0 : i32
      %dma_start3A_49 = tpu.memref_slice %arg4[%dma_start3A_38, %dma_start3A_47, %dma_start3A_48] : memref<2x32x128xf32, #tpu.memory_space<vmem>> -> memref<1x32x128xf32, #tpu.memory_space<vmem>>
      %dma_start3A_50 = tpu.memref_squeeze %dma_start3A_49 : memref<1x32x128xf32, #tpu.memory_space<vmem>> -> memref<32x128xf32, #tpu.memory_space<vmem>>
      %dma_start3A_51 = arith.constant 0 : i32
      %dma_start3A_52 = arith.constant 0 : i32
      %dma_start3A_53 = tpu.memref_slice %arg2[%dma_start3A, %select_n3A, %dma_start3A_51, %select_n3A_37, %dma_start3A_52] : memref<50x4x32x8x128xf32, #tpu.memory_space<hbm>> -> memref<1x1x32x1x128xf32, #tpu.memory_space<hbm>>
      %dma_start3A_54 = tpu.memref_squeeze %dma_start3A_53 : memref<1x1x32x1x128xf32, #tpu.memory_space<hbm>> -> memref<32x128xf32, #tpu.memory_space<hbm>>
      tpu.enqueue_dma source(%dma_start3A_54 : memref<32x128xf32, #tpu.memory_space<hbm>>) target(%dma_start3A_50 : memref<32x128xf32, #tpu.memory_space<vmem>>) target_semaphore(%arg6 : memref<!tpu.dma_semaphore, #tpu.memory_space<semaphore_mem>>)
      %scan3A = arith.constant 0 : i32
      %scan3A_55 = arith.constant 0 : i32
      %scan3A_56 = arith.constant 25 : i32
      %scan3A_57 = arith.addi %scan3A_55, %scan3A_56 : i32
      %scan3A_58 = arith.constant 1 : i32
      scf.for %scan3A_77 = %scan3A_55 to %scan3A_57 step %scan3A_58  : i32 {
        %mul3A_78 = arith.constant 2 : i32
        %mul3A_79 = arith.muli %mul3A_78, %scan3A_77 : i32
        %add3A_80 = arith.constant 1 : i32
        %add3A_81 = arith.addi %mul3A_79, %add3A_80 : i32
        %dma_start3A_82 = arith.constant 1 : i32
        %dma_start3A_83 = arith.constant 0 : i32
        %dma_start3A_84 = arith.constant 0 : i32
        %dma_start3A_85 = tpu.memref_slice %arg4[%dma_start3A_82, %dma_start3A_83, %dma_start3A_84] : memref<2x32x128xf32, #tpu.memory_space<vmem>> -> memref<1x32x128xf32, #tpu.memory_space<vmem>>
        %dma_start3A_86 = tpu.memref_squeeze %dma_start3A_85 : memref<1x32x128xf32, #tpu.memory_space<vmem>> -> memref<32x128xf32, #tpu.memory_space<vmem>>
        %dma_start3A_87 = arith.constant 0 : i32
        %dma_start3A_88 = arith.constant 0 : i32
        %dma_start3A_89 = tpu.memref_slice %arg2[%add3A_81, %select_n3A, %dma_start3A_87, %select_n3A_37, %dma_start3A_88] : memref<50x4x32x8x128xf32, #tpu.memory_space<hbm>> -> memref<1x1x32x1x128xf32, #tpu.memory_space<hbm>>
        %dma_start3A_90 = tpu.memref_squeeze %dma_start3A_89 : memref<1x1x32x1x128xf32, #tpu.memory_space<hbm>> -> memref<32x128xf32, #tpu.memory_space<hbm>>
        %dma_start3A_91 = arith.constant 0 : i32
        %dma_start3A_92 = arith.constant 0 : i32
        %dma_start3A_93 = tpu.memref_slice %arg4[%dma_start3A_82, %dma_start3A_91, %dma_start3A_92] : memref<2x32x128xf32, #tpu.memory_space<vmem>> -> memref<1x32x128xf32, #tpu.memory_space<vmem>>
        %dma_start3A_94 = tpu.memref_squeeze %dma_start3A_93 : memref<1x32x128xf32, #tpu.memory_space<vmem>> -> memref<32x128xf32, #tpu.memory_space<vmem>>
        %dma_start3A_95 = arith.constant 0 : i32
        %dma_start3A_96 = arith.constant 0 : i32
        %dma_start3A_97 = tpu.memref_slice %arg2[%add3A_81, %select_n3A, %dma_start3A_95, %select_n3A_37, %dma_start3A_96] : memref<50x4x32x8x128xf32, #tpu.memory_space<hbm>> -> memref<1x1x32x1x128xf32, #tpu.memory_space<hbm>>
        %dma_start3A_98 = tpu.memref_squeeze %dma_start3A_97 : memref<1x1x32x1x128xf32, #tpu.memory_space<hbm>> -> memref<32x128xf32, #tpu.memory_space<hbm>>
        tpu.enqueue_dma source(%dma_start3A_98 : memref<32x128xf32, #tpu.memory_space<hbm>>) target(%dma_start3A_94 : memref<32x128xf32, #tpu.memory_space<vmem>>) target_semaphore(%arg7 : memref<!tpu.dma_semaphore, #tpu.memory_space<semaphore_mem>>)
        %dma_wait3A_99 = arith.constant 0 : i32
        %dma_wait3A_100 = arith.constant 0 : i32
        %dma_wait3A_101 = arith.constant 0 : i32
        %dma_wait3A_102 = tpu.memref_slice %arg4[%dma_wait3A_99, %dma_wait3A_100, %dma_wait3A_101] : memref<2x32x128xf32, #tpu.memory_space<vmem>> -> memref<1x32x128xf32, #tpu.memory_space<vmem>>
        %dma_wait3A_103 = tpu.memref_squeeze %dma_wait3A_102 : memref<1x32x128xf32, #tpu.memory_space<vmem>> -> memref<32x128xf32, #tpu.memory_space<vmem>>
        %dma_wait3A_104 = arith.constant 0 : i32
        %dma_wait3A_105 = arith.constant 0 : i32
        %dma_wait3A_106 = tpu.memref_slice %arg2[%mul3A_79, %select_n3A, %dma_wait3A_104, %select_n3A_37, %dma_wait3A_105] : memref<50x4x32x8x128xf32, #tpu.memory_space<hbm>> -> memref<1x1x32x1x128xf32, #tpu.memory_space<hbm>>
        %dma_wait3A_107 = tpu.memref_squeeze %dma_wait3A_106 : memref<1x1x32x1x128xf32, #tpu.memory_space<hbm>> -> memref<32x128xf32, #tpu.memory_space<hbm>>
        %dma_wait3A_108 = arith.constant 0 : i32
        %dma_wait3A_109 = arith.constant 0 : i32
        %dma_wait3A_110 = tpu.memref_slice %arg4[%dma_wait3A_99, %dma_wait3A_108, %dma_wait3A_109] : memref<2x32x128xf32, #tpu.memory_space<vmem>> -> memref<1x32x128xf32, #tpu.memory_space<vmem>>
        %dma_wait3A_111 = tpu.memref_squeeze %dma_wait3A_110 : memref<1x32x128xf32, #tpu.memory_space<vmem>> -> memref<32x128xf32, #tpu.memory_space<vmem>>
        %dma_wait3A_112 = arith.constant 0 : i32
        %dma_wait3A_113 = arith.constant 0 : i32
        %dma_wait3A_114 = tpu.memref_slice %arg2[%mul3A_79, %select_n3A, %dma_wait3A_112, %select_n3A_37, %dma_wait3A_113] : memref<50x4x32x8x128xf32, #tpu.memory_space<hbm>> -> memref<1x1x32x1x128xf32, #tpu.memory_space<hbm>>
        %dma_wait3A_115 = tpu.memref_squeeze %dma_wait3A_114 : memref<1x1x32x1x128xf32, #tpu.memory_space<hbm>> -> memref<32x128xf32, #tpu.memory_space<hbm>>
        tpu.wait_dma2 semaphore(%arg6 : memref<!tpu.dma_semaphore, #tpu.memory_space<semaphore_mem>>) src(%dma_wait3A_115 : memref<32x128xf32, #tpu.memory_space<hbm>>) dst(%dma_wait3A_111 : memref<32x128xf32, #tpu.memory_space<vmem>>)
        %parallel_loop3A_116 = arith.constant 0 : i32
        %parallel_loop3A_117 = arith.constant 256 : i32
        %parallel_loop3A_118 = arith.constant 1 : i32
        scf.for %parallel_loop3A_161 = %parallel_loop3A_116 to %parallel_loop3A_117 step %parallel_loop3A_118  : i32 {
          %parallel_loop3A_162 = arith.constant 3 : i32
          %parallel_loop3A_163 = arith.shrsi %parallel_loop3A_161, %parallel_loop3A_162 : i32
          %parallel_loop3A_164 = arith.constant 7 : i32
          %parallel_loop3A_165 = arith.andi %parallel_loop3A_161, %parallel_loop3A_164 : i32
          %parallel_loop3A_166 = arith.constant 16 : i32
          %parallel_loop3A_167 = arith.muli %parallel_loop3A_165, %parallel_loop3A_166 : i32
          %parallel_loop3A_168 = arith.constant 0 : i32
          %parallel_loop3A_169 = arith.index_cast %parallel_loop3A_168 : i32 to index
          %parallel_loop3A_170 = arith.index_cast %parallel_loop3A_163 : i32 to index
          %parallel_loop3A_171 = arith.index_cast %parallel_loop3A_167 : i32 to index
          %parallel_loop3A_172 = tpu.vector_load %arg4[%parallel_loop3A_169, %parallel_loop3A_170, %parallel_loop3A_171] {strides = array<i32>} : memref<2x32x128xf32, #tpu.memory_space<vmem>>, vector<16xf32>,
          %parallel_loop3A_173 = arith.fptosi %parallel_loop3A_172 : vector<16xf32> to vector<16xi32>
          %parallel_loop3A_174 = arith.constant true
          %parallel_loop3A_175 = vector.broadcast %parallel_loop3A_174 : i1 to vector<16xi1>
          %parallel_loop3A_176, %parallel_loop3A_177 = tpu.scan_count mask(%parallel_loop3A_175 : vector<16xi1>) value(%parallel_loop3A_173 : vector<16xi32>) : vector<16xi1>, vector<16xi32>
          tpu.vector_store_idx %arg5[%parallel_loop3A_173], %parallel_loop3A_177 masked %parallel_loop3A_176 {add = true} : memref<100000xi32, #tpu.memory_space<vmem>>[vector<16xi32>], vector<16xi32>, vector<16xi1>
        } {sc.loop_unroll_factor = 8 : i64, sc.parallel_access}
        %add3A_119 = arith.constant 2 : i32
        %add3A_120 = arith.addi %mul3A_79, %add3A_119 : i32
        %min3A = arith.constant 49 : i32
        %min3A_121 = arith.minsi %add3A_120, %min3A : i32
        %dma_start3A_122 = arith.constant 0 : i32
        %dma_start3A_123 = arith.constant 0 : i32
        %dma_start3A_124 = arith.constant 0 : i32
        %dma_start3A_125 = tpu.memref_slice %arg4[%dma_start3A_122, %dma_start3A_123, %dma_start3A_124] : memref<2x32x128xf32, #tpu.memory_space<vmem>> -> memref<1x32x128xf32, #tpu.memory_space<vmem>>
        %dma_start3A_126 = tpu.memref_squeeze %dma_start3A_125 : memref<1x32x128xf32, #tpu.memory_space<vmem>> -> memref<32x128xf32, #tpu.memory_space<vmem>>
        %dma_start3A_127 = arith.constant 0 : i32
        %dma_start3A_128 = arith.constant 0 : i32
        %dma_start3A_129 = tpu.memref_slice %arg2[%min3A_121, %select_n3A, %dma_start3A_127, %select_n3A_37, %dma_start3A_128] : memref<50x4x32x8x128xf32, #tpu.memory_space<hbm>> -> memref<1x1x32x1x128xf32, #tpu.memory_space<hbm>>
        %dma_start3A_130 = tpu.memref_squeeze %dma_start3A_129 : memref<1x1x32x1x128xf32, #tpu.memory_space<hbm>> -> memref<32x128xf32, #tpu.memory_space<hbm>>
        %dma_start3A_131 = arith.constant 0 : i32
        %dma_start3A_132 = arith.constant 0 : i32
        %dma_start3A_133 = tpu.memref_slice %arg4[%dma_start3A_122, %dma_start3A_131, %dma_start3A_132] : memref<2x32x128xf32, #tpu.memory_space<vmem>> -> memref<1x32x128xf32, #tpu.memory_space<vmem>>
        %dma_start3A_134 = tpu.memref_squeeze %dma_start3A_133 : memref<1x32x128xf32, #tpu.memory_space<vmem>> -> memref<32x128xf32, #tpu.memory_space<vmem>>
        %dma_start3A_135 = arith.constant 0 : i32
        %dma_start3A_136 = arith.constant 0 : i32
        %dma_start3A_137 = tpu.memref_slice %arg2[%min3A_121, %select_n3A, %dma_start3A_135, %select_n3A_37, %dma_start3A_136] : memref<50x4x32x8x128xf32, #tpu.memory_space<hbm>> -> memref<1x1x32x1x128xf32, #tpu.memory_space<hbm>>
        %dma_start3A_138 = tpu.memref_squeeze %dma_start3A_137 : memref<1x1x32x1x128xf32, #tpu.memory_space<hbm>> -> memref<32x128xf32, #tpu.memory_space<hbm>>
        tpu.enqueue_dma source(%dma_start3A_138 : memref<32x128xf32, #tpu.memory_space<hbm>>) target(%dma_start3A_134 : memref<32x128xf32, #tpu.memory_space<vmem>>) target_semaphore(%arg6 : memref<!tpu.dma_semaphore, #tpu.memory_space<semaphore_mem>>)
        %add3A_139 = arith.constant 1 : i32
        %add3A_140 = arith.addi %mul3A_79, %add3A_139 : i32
        %dma_wait3A_141 = arith.constant 1 : i32
        %dma_wait3A_142 = arith.constant 0 : i32
        %dma_wait3A_143 = arith.constant 0 : i32
        %dma_wait3A_144 = tpu.memref_slice %arg4[%dma_wait3A_141, %dma_wait3A_142, %dma_wait3A_143] : memref<2x32x128xf32, #tpu.memory_space<vmem>> -> memref<1x32x128xf32, #tpu.memory_space<vmem>>
        %dma_wait3A_145 = tpu.memref_squeeze %dma_wait3A_144 : memref<1x32x128xf32, #tpu.memory_space<vmem>> -> memref<32x128xf32, #tpu.memory_space<vmem>>
        %dma_wait3A_146 = arith.constant 0 : i32
        %dma_wait3A_147 = arith.constant 0 : i32
        %dma_wait3A_148 = tpu.memref_slice %arg2[%add3A_140, %select_n3A, %dma_wait3A_146, %select_n3A_37, %dma_wait3A_147] : memref<50x4x32x8x128xf32, #tpu.memory_space<hbm>> -> memref<1x1x32x1x128xf32, #tpu.memory_space<hbm>>
        %dma_wait3A_149 = tpu.memref_squeeze %dma_wait3A_148 : memref<1x1x32x1x128xf32, #tpu.memory_space<hbm>> -> memref<32x128xf32, #tpu.memory_space<hbm>>
        %dma_wait3A_150 = arith.constant 0 : i32
        %dma_wait3A_151 = arith.constant 0 : i32
        %dma_wait3A_152 = tpu.memref_slice %arg4[%dma_wait3A_141, %dma_wait3A_150, %dma_wait3A_151] : memref<2x32x128xf32, #tpu.memory_space<vmem>> -> memref<1x32x128xf32, #tpu.memory_space<vmem>>
        %dma_wait3A_153 = tpu.memref_squeeze %dma_wait3A_152 : memref<1x32x128xf32, #tpu.memory_space<vmem>> -> memref<32x128xf32, #tpu.memory_space<vmem>>
        %dma_wait3A_154 = arith.constant 0 : i32
        %dma_wait3A_155 = arith.constant 0 : i32
        %dma_wait3A_156 = tpu.memref_slice %arg2[%add3A_140, %select_n3A, %dma_wait3A_154, %select_n3A_37, %dma_wait3A_155] : memref<50x4x32x8x128xf32, #tpu.memory_space<hbm>> -> memref<1x1x32x1x128xf32, #tpu.memory_space<hbm>>
        %dma_wait3A_157 = tpu.memref_squeeze %dma_wait3A_156 : memref<1x1x32x1x128xf32, #tpu.memory_space<hbm>> -> memref<32x128xf32, #tpu.memory_space<hbm>>
        tpu.wait_dma2 semaphore(%arg7 : memref<!tpu.dma_semaphore, #tpu.memory_space<semaphore_mem>>) src(%dma_wait3A_157 : memref<32x128xf32, #tpu.memory_space<hbm>>) dst(%dma_wait3A_153 : memref<32x128xf32, #tpu.memory_space<vmem>>)
        %parallel_loop3A_158 = arith.constant 0 : i32
        %parallel_loop3A_159 = arith.constant 256 : i32
        %parallel_loop3A_160 = arith.constant 1 : i32
        scf.for %parallel_loop3A_161 = %parallel_loop3A_158 to %parallel_loop3A_159 step %parallel_loop3A_160  : i32 {
          %parallel_loop3A_162 = arith.constant 3 : i32
          %parallel_loop3A_163 = arith.shrsi %parallel_loop3A_161, %parallel_loop3A_162 : i32
          %parallel_loop3A_164 = arith.constant 7 : i32
          %parallel_loop3A_165 = arith.andi %parallel_loop3A_161, %parallel_loop3A_164 : i32
          %parallel_loop3A_166 = arith.constant 16 : i32
          %parallel_loop3A_167 = arith.muli %parallel_loop3A_165, %parallel_loop3A_166 : i32
          %parallel_loop3A_168 = arith.constant 1 : i32
          %parallel_loop3A_169 = arith.index_cast %parallel_loop3A_168 : i32 to index
          %parallel_loop3A_170 = arith.index_cast %parallel_loop3A_163 : i32 to index
          %parallel_loop3A_171 = arith.index_cast %parallel_loop3A_167 : i32 to index
          %parallel_loop3A_172 = tpu.vector_load %arg4[%parallel_loop3A_169, %parallel_loop3A_170, %parallel_loop3A_171] {strides = array<i32>} : memref<2x32x128xf32, #tpu.memory_space<vmem>>, vector<16xf32>,
          %parallel_loop3A_173 = arith.fptosi %parallel_loop3A_172 : vector<16xf32> to vector<16xi32>
          %parallel_loop3A_174 = arith.constant true
          %parallel_loop3A_175 = vector.broadcast %parallel_loop3A_174 : i1 to vector<16xi1>
          %parallel_loop3A_176, %parallel_loop3A_177 = tpu.scan_count mask(%parallel_loop3A_175 : vector<16xi1>) value(%parallel_loop3A_173 : vector<16xi32>) : vector<16xi1>, vector<16xi32>
          tpu.vector_store_idx %arg5[%parallel_loop3A_173], %parallel_loop3A_177 masked %parallel_loop3A_176 {add = true} : memref<100000xi32, #tpu.memory_space<vmem>>[vector<16xi32>], vector<16xi32>, vector<16xi1>
        } {sc.loop_unroll_factor = 8 : i64, sc.parallel_access}
      }
      %scan3A_59 = arith.constant 25 : i32
      %dma_wait3A = arith.constant 49 : i32
      %dma_wait3A_60 = arith.constant 0 : i32
      %dma_wait3A_61 = arith.constant 0 : i32
      %dma_wait3A_62 = arith.constant 0 : i32
      %dma_wait3A_63 = tpu.memref_slice %arg4[%dma_wait3A_60, %dma_wait3A_61, %dma_wait3A_62] : memref<2x32x128xf32, #tpu.memory_space<vmem>> -> memref<1x32x128xf32, #tpu.memory_space<vmem>>
      %dma_wait3A_64 = tpu.memref_squeeze %dma_wait3A_63 : memref<1x32x128xf32, #tpu.memory_space<vmem>> -> memref<32x128xf32, #tpu.memory_space<vmem>>
      %dma_wait3A_65 = arith.constant 0 : i32
      %dma_wait3A_66 = arith.constant 0 : i32
      %dma_wait3A_67 = tpu.memref_slice %arg2[%dma_wait3A, %select_n3A, %dma_wait3A_65, %select_n3A_37, %dma_wait3A_66] : memref<50x4x32x8x128xf32, #tpu.memory_space<hbm>> -> memref<1x1x32x1x128xf32, #tpu.memory_space<hbm>>
      %dma_wait3A_68 = tpu.memref_squeeze %dma_wait3A_67 : memref<1x1x32x1x128xf32, #tpu.memory_space<hbm>> -> memref<32x128xf32, #tpu.memory_space<hbm>>
      %dma_wait3A_69 = arith.constant 0 : i32
      %dma_wait3A_70 = arith.constant 0 : i32
      %dma_wait3A_71 = tpu.memref_slice %arg4[%dma_wait3A_60, %dma_wait3A_69, %dma_wait3A_70] : memref<2x32x128xf32, #tpu.memory_space<vmem>> -> memref<1x32x128xf32, #tpu.memory_space<vmem>>
      %dma_wait3A_72 = tpu.memref_squeeze %dma_wait3A_71 : memref<1x32x128xf32, #tpu.memory_space<vmem>> -> memref<32x128xf32, #tpu.memory_space<vmem>>
      %dma_wait3A_73 = arith.constant 0 : i32
      %dma_wait3A_74 = arith.constant 0 : i32
      %dma_wait3A_75 = tpu.memref_slice %arg2[%dma_wait3A, %select_n3A, %dma_wait3A_73, %select_n3A_37, %dma_wait3A_74] : memref<50x4x32x8x128xf32, #tpu.memory_space<hbm>> -> memref<1x1x32x1x128xf32, #tpu.memory_space<hbm>>
      %dma_wait3A_76 = tpu.memref_squeeze %dma_wait3A_75 : memref<1x1x32x1x128xf32, #tpu.memory_space<hbm>> -> memref<32x128xf32, #tpu.memory_space<hbm>>
      tpu.wait_dma2 semaphore(%arg6 : memref<!tpu.dma_semaphore, #tpu.memory_space<semaphore_mem>>) src(%dma_wait3A_76 : memref<32x128xf32, #tpu.memory_space<hbm>>) dst(%dma_wait3A_72 : memref<32x128xf32, #tpu.memory_space<vmem>>)
      %run_scoped3A = arith.constant 0 : i32
      "tpu.region"() ({
        %run_scoped3A_77 = tpu.sem_alloc : memref<!tpu.dma_semaphore, #tpu.memory_space<semaphore_mem>>
        %dma_start3A_78 = arith.constant 0 : i32
        %dma_start3A_79 = tpu.memref_slice %arg3[%add3A, %run_scoped3A, %dma_start3A_78] : memref<26x1x100000xi32, #tpu.memory_space<hbm>> -> memref<1x1x100000xi32, #tpu.memory_space<hbm>>
        %dma_start3A_80 = tpu.memref_squeeze %dma_start3A_79 : memref<1x1x100000xi32, #tpu.memory_space<hbm>> -> memref<100000xi32, #tpu.memory_space<hbm>>
        %dma_start3A_81 = arith.constant 0 : i32
        %dma_start3A_82 = tpu.memref_slice %arg3[%add3A, %run_scoped3A, %dma_start3A_81] : memref<26x1x100000xi32, #tpu.memory_space<hbm>> -> memref<1x1x100000xi32, #tpu.memory_space<hbm>>
        %dma_start3A_83 = tpu.memref_squeeze %dma_start3A_82 : memref<1x1x100000xi32, #tpu.memory_space<hbm>> -> memref<100000xi32, #tpu.memory_space<hbm>>
        tpu.enqueue_dma source(%arg5 : memref<100000xi32, #tpu.memory_space<vmem>>) target(%dma_start3A_83 : memref<100000xi32, #tpu.memory_space<hbm>>) target_semaphore(%run_scoped3A_77 : memref<!tpu.dma_semaphore, #tpu.memory_space<semaphore_mem>>)
        %dma_wait3A_84 = arith.constant 0 : i32
        %dma_wait3A_85 = tpu.memref_slice %arg3[%add3A, %run_scoped3A, %dma_wait3A_84] : memref<26x1x100000xi32, #tpu.memory_space<hbm>> -> memref<1x1x100000xi32, #tpu.memory_space<hbm>>
        %dma_wait3A_86 = tpu.memref_squeeze %dma_wait3A_85 : memref<1x1x100000xi32, #tpu.memory_space<hbm>> -> memref<100000xi32, #tpu.memory_space<hbm>>
        %dma_wait3A_87 = arith.constant 0 : i32
        %dma_wait3A_88 = tpu.memref_slice %arg3[%add3A, %run_scoped3A, %dma_wait3A_87] : memref<26x1x100000xi32, #tpu.memory_space<hbm>> -> memref<1x1x100000xi32, #tpu.memory_space<hbm>>
        %dma_wait3A_89 = tpu.memref_squeeze %dma_wait3A_88 : memref<1x1x100000xi32, #tpu.memory_space<hbm>> -> memref<100000xi32, #tpu.memory_space<hbm>>
        tpu.wait_dma2 semaphore(%run_scoped3A_77 : memref<!tpu.dma_semaphore, #tpu.memory_space<semaphore_mem>>) src(%arg5 : memref<100000xi32, #tpu.memory_space<vmem>>) dst(%dma_wait3A_89 : memref<100000xi32, #tpu.memory_space<hbm>>)
        tpu.yield
      }) : () -> ()
    } else {
    }
    return
  }
}

module attributes {stable_mosaic.version = 14 : i64} {
  func.func @_tc_combine_body(%arg0: i32, %arg1: memref<13x1x100000xf32, #tpu.memory_space<vmem>>, %arg2: memref<13x1x100000xi32, #tpu.memory_space<vmem>>, %arg3: memref<1x1xf32, #tpu.memory_space<smem>>) attributes {dimension_semantics = [#tpu.dimension_semantics<arbitrary>], iteration_bounds = array<i64: 2>, scalar_prefetch = 0 : i64, scratch_operands = 0 : i64, tpu.core_type = #tpu.core_type<tc>, window_params = [{transform_indices = @transform_0, window_bounds = array<i64: 13, 1, 100000>}, {transform_indices = @transform_1, window_bounds = array<i64: 13, 1, 100000>}, {transform_indices = @transform_2, window_bounds = array<i64: 1, 1>}]} {
    %eq3A = arith.constant 0 : i32
    %eq3A_0 = arith.cmpi eq, %arg0, %eq3A : i32
    %convert_element_type3A = arith.extui %eq3A_0 : i1 to i32
    %cond3A = arith.constant 0 : i32
    %cond3A_1 = arith.cmpi ne, %convert_element_type3A, %cond3A : i32
    scf.if %cond3A_1 {
      %swap3A_26 = arith.constant 0.000000e+00 : f32
      %swap3A_27 = arith.constant 0 : index
      %swap3A_28 = arith.constant 0 : index
      %swap3A_29 = memref.load %arg3[%swap3A_27, %swap3A_28] : memref<1x1xf32, #tpu.memory_space<smem>>
      memref.store %swap3A_26, %arg3[%swap3A_27, %swap3A_28] : memref<1x1xf32, #tpu.memory_space<smem>>
    } else {
    }
    %get3A = arith.constant 0 : index
    %get3A_2 = arith.constant 0 : index
    %get3A_3 = arith.constant 0 : index
    %get3A_4 = vector.load %arg2[%get3A, %get3A_2, %get3A_3] : memref<13x1x100000xi32, #tpu.memory_space<vmem>>, vector<13x1x100000xi32>
    %get3A_5 = vector.shape_cast %get3A_4 : vector<13x1x100000xi32> to vector<13x100000xi32>
    %convert_element_type3A_6 = arith.sitofp %get3A_5 : vector<13x100000xi32> to vector<13x100000xf32>
    %div3A = arith.constant 2.048000e+05 : f32
    %div3A_7 = vector.broadcast %div3A : f32 to vector<13x100000xf32>
    %div3A_8 = arith.divf %convert_element_type3A_6, %div3A_7 : vector<13x100000xf32>
    %add3A = arith.constant 9.99999971E-10 : f32
    %add3A_9 = vector.broadcast %add3A : f32 to vector<13x100000xf32>
    %add3A_10 = arith.addf %div3A_8, %add3A_9 : vector<13x100000xf32>
    %rsqrt3A = math.rsqrt %add3A_10 : vector<13x100000xf32>
    %get3A_11 = arith.constant 0 : index
    %get3A_12 = arith.constant 0 : index
    %get3A_13 = memref.load %arg3[%get3A_11, %get3A_12] : memref<1x1xf32, #tpu.memory_space<smem>>
    %get3A_14 = arith.constant 0 : index
    %get3A_15 = arith.constant 0 : index
    %get3A_16 = arith.constant 0 : index
    %get3A_17 = vector.load %arg1[%get3A_14, %get3A_15, %get3A_16] : memref<13x1x100000xf32, #tpu.memory_space<vmem>>, vector<13x1x100000xf32>
    %get3A_18 = vector.shape_cast %get3A_17 : vector<13x1x100000xf32> to vector<13x100000xf32>
    %mul3A = arith.mulf %rsqrt3A, %get3A_18 : vector<13x100000xf32>
    %reduce_sum3A = vector.shape_cast %mul3A : vector<13x100000xf32> to vector<1x13x100000xf32>
    %reduce_sum3A_19 = arith.constant dense<0.000000e+00> : vector<1xf32>
    %reduce_sum3A_20 = vector.multi_reduction <add>, %reduce_sum3A, %reduce_sum3A_19 [1, 2] : vector<1x13x100000xf32> to vector<1xf32>
    %reduce_sum3A_21 = vector.shape_cast %reduce_sum3A_20 : vector<1xf32> to vector<1x1x1xf32>
    %reduce_sum3A_22 = vector.extract %reduce_sum3A_21[0, 0, 0] : f32 from vector<1x1x1xf32>
    %add3A_23 = arith.addf %get3A_13, %reduce_sum3A_22 : f32
    %swap3A = arith.constant 0 : index
    %swap3A_24 = arith.constant 0 : index
    %swap3A_25 = memref.load %arg3[%swap3A, %swap3A_24] : memref<1x1xf32, #tpu.memory_space<smem>>
    memref.store %add3A_23, %arg3[%swap3A, %swap3A_24] : memref<1x1xf32, #tpu.memory_space<smem>>
    return
  }
  func.func @transform_0(%arg0: i32) -> (i32, i32, i32) {
    %c0_i32 = arith.constant 0 : i32
    %c0_i32_0 = arith.constant 0 : i32
    %c0_i32_1 = arith.constant 0 : i32
    return %arg0, %c0_i32, %c0_i32_0 : i32, i32, i32
  }
  func.func @transform_1(%arg0: i32) -> (i32, i32, i32) {
    %c0_i32 = arith.constant 0 : i32
    %c0_i32_0 = arith.constant 0 : i32
    %c0_i32_1 = arith.constant 0 : i32
    return %arg0, %c0_i32, %c0_i32_0 : i32, i32, i32
  }
  func.func @transform_2(%arg0: i32) -> (i32, i32) {
    %c0_i32 = arith.constant 0 : i32
    %c0_i32_0 = arith.constant 0 : i32
    %c0_i32_1 = arith.constant 0 : i32
    return %c0_i32, %c0_i32_0 : i32, i32
  }
}

module attributes {stable_mosaic.version = 14 : i64} {
  func.func @_tc_w2_body(%arg0: i32, %arg1: i32, %arg2: memref<16x100000xf32, #tpu.memory_space<vmem>>, %arg3: memref<1x1x100000xf32, #tpu.memory_space<vmem>>) attributes {dimension_semantics = [#tpu.dimension_semantics<arbitrary>, #tpu.dimension_semantics<arbitrary>], iteration_bounds = array<i64: 26, 2>, scalar_prefetch = 0 : i64, scratch_operands = 0 : i64, tpu.core_type = #tpu.core_type<tc>, window_params = [{transform_indices = @transform_0, window_bounds = array<i64: 16, 100000>}, {transform_indices = @transform_1, window_bounds = array<i64: 1, 1, 100000>}]} {
    %get3A = arith.constant 0 : index
    %get3A_0 = arith.constant 0 : index
    %get3A_1 = vector.load %arg2[%get3A, %get3A_0] : memref<16x100000xf32, #tpu.memory_space<vmem>>, vector<16x100000xf32>
    %mul3A = arith.mulf %get3A_1, %get3A_1 : vector<16x100000xf32>
    %reduce_sum3A = arith.constant dense<0.000000e+00> : vector<100000xf32>
    %reduce_sum3A_2 = vector.multi_reduction <add>, %mul3A, %reduce_sum3A [0] : vector<16x100000xf32> to vector<100000xf32>
    %broadcast_in_dim3A = vector.shape_cast %reduce_sum3A_2 : vector<100000xf32> to vector<1x100000xf32>
    %broadcast_in_dim3A_3 = vector.shape_cast %broadcast_in_dim3A : vector<1x100000xf32> to vector<1x1x100000xf32>
    %eq3A = arith.constant 0 : i32
    %eq3A_4 = arith.cmpi eq, %arg1, %eq3A : i32
    %convert_element_type3A = arith.extui %eq3A_4 : i1 to i32
    %cond3A = arith.constant 0 : i32
    %cond3A_5 = arith.cmpi ne, %convert_element_type3A, %cond3A : i32
    scf.if %cond3A_5 {
      %swap3A = arith.constant 0 : index
      %swap3A_10 = arith.constant 0 : index
      %swap3A_11 = arith.constant 0 : index
      %swap3A_12 = vector.load %arg3[%swap3A, %swap3A_10, %swap3A_11] : memref<1x1x100000xf32, #tpu.memory_space<vmem>>, vector<1x1x100000xf32>
      tpu.vector_store %arg3[%swap3A, %swap3A_10, %swap3A_11], %broadcast_in_dim3A_3 {strides = array<i32>} : memref<1x1x100000xf32, #tpu.memory_space<vmem>>, vector<1x1x100000xf32>,
    } else {
    }
    %gt3A = arith.constant 0 : i32
    %gt3A_6 = arith.cmpi sgt, %arg1, %gt3A : i32
    %convert_element_type3A_7 = arith.extui %gt3A_6 : i1 to i32
    %cond3A_8 = arith.constant 0 : i32
    %cond3A_9 = arith.cmpi ne, %convert_element_type3A_7, %cond3A_8 : i32
    scf.if %cond3A_9 {
      %get3A_10 = arith.constant 0 : index
      %get3A_11 = arith.constant 0 : index
      %get3A_12 = arith.constant 0 : index
      %get3A_13 = vector.load %arg3[%get3A_10, %get3A_11, %get3A_12] : memref<1x1x100000xf32, #tpu.memory_space<vmem>>, vector<1x1x100000xf32>
      %add3A = arith.addf %get3A_13, %broadcast_in_dim3A_3 : vector<1x1x100000xf32>
      %swap3A = arith.constant 0 : index
      %swap3A_14 = arith.constant 0 : index
      %swap3A_15 = arith.constant 0 : index
      %swap3A_16 = vector.load %arg3[%swap3A, %swap3A_14, %swap3A_15] : memref<1x1x100000xf32, #tpu.memory_space<vmem>>, vector<1x1x100000xf32>
      tpu.vector_store %arg3[%swap3A, %swap3A_14, %swap3A_15], %add3A {strides = array<i32>} : memref<1x1x100000xf32, #tpu.memory_space<vmem>>, vector<1x1x100000xf32>,
    } else {
    }
    return
  }
  func.func @transform_0(%arg0: i32, %arg1: i32) -> (i32, i32) {
    %mul3A = arith.constant 2 : i32
    %mul3A_0 = arith.muli %arg0, %mul3A : i32
    %add3A = arith.addi %mul3A_0, %arg1 : i32
    %c0_i32 = arith.constant 0 : i32
    %c0_i32_1 = arith.constant 0 : i32
    return %add3A, %c0_i32 : i32, i32
  }
  func.func @transform_1(%arg0: i32, %arg1: i32) -> (i32, i32, i32) {
    %c0_i32 = arith.constant 0 : i32
    %c0_i32_0 = arith.constant 0 : i32
    %c0_i32_1 = arith.constant 0 : i32
    return %arg0, %c0_i32, %c0_i32_0 : i32, i32, i32
  }
}

</mosaic_0001>

<sc_bundles>
// kernel: kernel.5.cloned.1.call-start
scs
__scs_entry_jumppad:
0x0: {  	(pc) =	sbr.rel $0x88, $3  }
0x1: {  	(tag) =	ssettag $0x0;
	lr =	simm.s32 $0x1  }
0x2: {  	[smem:$0x3F9F] =	sst lr;
	_ =	strace $0xD0000000  }
0x3: {  	_ = 	snop  }
0x4: {  	_ = 	snop  }
0x5: {  	_ = 	snop  }
0x6: {  	_ = 	snop  }
0x7: {  	_ = 	snop  }
__scs_overlays_trampoline_lowered:
0x8: {  	[smem:$0x3FAE] =	sst s0  }
0x9: {  	[smem:$0x3FAF] =	sst s1  }
0xa: {  	[smem:$0x3FB0] =	sst s2  }
0xb: {  	[smem:$0x3FB1] =	sst s3  }
0xc: {  	[smem:$0x3FB2] =	sst s4  }
0xd: {  	[smem:$0x3FB3] =	sst s5  }
0xe: {  	[smem:$0x3FB4] =	sst s6  }
0xf: {  	[smem:$0x3FB5] =	sst s7  }
0x10: {  	[smem:$0x3FB6] =	sst s8  }
0x11: {  	[smem:$0x3FB7] =	sst s9;
	s0 =	simm.s32 @!p0 $0x0  }
0x12: {  	s1 =	sld [smem:$0x3F9D];
	s0 =	simm.s32 @p0 $0x1  }
0x13: {  	[smem:$0x3FB8] =	sst s0;
	s0 =	simm.s32 @!p1 $0x0  }
0x14: {  	s2 =	sld [smem:$0x3F9C];
	s0 =	simm.s32 @p1 $0x1  }
0x15: {  	[smem:$0x3FB9] =	sst s0;
	s0 =	simm.s32 @!p2 $0x0  }
0x16: {  	s3 =	sld [smem:$0x3FDB];
	s0 =	simm.s32 @p2 $0x1  }
0x17: {  	s4 =	simm.s32 $0x1BF5;
	[smem:$0x3FBB] =	sst s0  }
0x18: {  	s0 =	sld [smem:$0x3F9E];
	_ =	swait.ge [sflag:s4], $0x0  }
0x19: {  	s7 =	sld [smem:$0x3F9F]  }
0x1a: {  	s8 =	sadd.s32 $0xFFFFE003, lr  }
0x1b: {  	s9 =	sadd.s32 $0xFFFFFEF7, lr;
	s5 =	simm.s32 $0xFFFFFFFF;
	p2 =	slt.u32 s8, $0xFFFFF086  }
0x1c: {  	p1 =	slt.u32 s9, $0xF7A;
	s5 =	simm.s32 @!p2 $0x0  }
0x1d: {  	s5 =	simm.s32 @p1 $0x1;
	p0 =	seq.s32 s7, s2  }
0x1e: {  	s7 =	smul.u32 @!p0 $0xF7A, s2;
	p2 =	seq.s32 @!p0 s5, $0x0  }
0x1f: {  	s9 =	smul.u32 $0xF7A, s1;
	s8 =	simm.s32 @!p0 $0x1BF5;
	p2 =	por !p2, p0  }
0x20: {  	[sflag:s8] =	ssyncset.s32 @!p0 $0xFFFFF086;
	s6 =	sadd.s32 @!p0 s3, s7;
	s7 =	simm.s32 @!p0 $0x108  }
0x21: {  	s3 =	sadd.s32 s3, s9;
	s6 =	sadd.s32 @!p0 $0x88, s6;
	s7 =	simm.s32 @p2 $0x1082  }
0x22: {  	[simem:s7], [sflag:s8] =	dma.local @!p0 [hbm:s6], $0xF7A  }
0x23: {  	s9 =	sor.u32 $0xD0000000, s2;
	s6 =	simm.s32 $0x108;
	_ =	swait.ge @!p0 [sflag:s8], $0x0  }
0x24: {  	s3 =	sadd.s32 $0x88, s3;
	s6 =	simm.s32 @!p1 $0x1082;
	[sflag:s4] =	ssyncset.s32 $0xFFFFF086  }
0x25: {  	[simem:s6], [sflag:s4] =	dma.local [hbm:s3], $0xF7A  }
0x26: {  	[smem:$0x3F9F] =	sst s1;
	(tag) =	ssettag s2;
	_ =	strace s9  }
0x27: {  	s1 =	sld [smem:$0x3FAF]  }
0x28: {  	s2 =	sld [smem:$0x3FB0]  }
0x29: {  	s4 =	sld [smem:$0x3FB2]  }
0x2a: {  	p0 =	seq.s32 s5, $0x0;
	s5 =	sld [smem:$0x3FB3]  }
0x2b: {  	s6 =	sld [smem:$0x3FB4]  }
0x2c: {  	s7 =	sld [smem:$0x3FB5]  }
0x2d: {  	s3 =	simm.s32 $0x108;
	s8 =	sld [smem:$0x3FB6]  }
0x2e: {  	s3 =	simm.s32 @!p0 $0x1082;
	s9 =	sld [smem:$0x3FB7]  }
0x2f: {  	lr =	sadd.s32 s0, s3;
	s0 =	sld [smem:$0x3FAE]  }
0x30: {  	s3 =	sld [smem:$0x3FB1]  }
0x31: {  	[smem:$0x3FBA] =	sst s10  }
0x32: {  	s10 =	sld [smem:$0x3FB8];
	_ =	sdelay $0x3  }
0x33: {  	p0 =	seq.s32 s10, $0x1;
	s10 =	sld [smem:$0x3FBA];
	_ =	sdelay $0x3  }
0x34: {  	[smem:$0x3FBA] =	sst s10  }
0x35: {  	s10 =	sld [smem:$0x3FB9];
	_ =	sdelay $0x3  }
0x36: {  	p1 =	seq.s32 s10, $0x1;
	s10 =	sld [smem:$0x3FBA];
	_ =	sdelay $0x3  }
0x37: {  	[smem:$0x3FBA] =	sst s10  }
0x38: {  	s10 =	sld [smem:$0x3FBB]  }
0x39: {  	_ = 	snop;
	(pc) =	sbr.ind lr, $3  }
0x3a: {  	_ = 	snop  }
0x3b: {  	_ = 	snop  }
0x3c: {  	p2 =	seq.s32 s10, $0x1;
	s10 =	sld [smem:$0x3FBA]  }
0x3d: {  	_ =	shalt  }
0x3e: {  	_ =	shalt  }
0x3f: {  	_ =	shalt  }
0x40: {  	_ =	shalt  }
0x41: {  	_ =	shalt  }
0x42: {  	_ =	shalt  }
0x43: {  	_ =	shalt  }
0x44: {  	_ =	shalt  }
0x45: {  	_ =	shalt  }
0x46: {  	_ =	shalt  }
0x47: {  	_ =	shalt  }
0x48: {  	_ =	shalt  }
0x49: {  	_ =	shalt  }
0x4a: {  	_ =	shalt  }
0x4b: {  	_ =	shalt  }
0x4c: {  	_ =	shalt  }
0x4d: {  	_ =	shalt  }
0x4e: {  	_ =	shalt  }
0x4f: {  	_ =	shalt  }
0x50: {  	_ =	shalt  }
0x51: {  	_ =	shalt  }
0x52: {  	_ =	shalt  }
0x53: {  	_ =	shalt  }
0x54: {  	_ =	shalt  }
0x55: {  	_ =	shalt  }
0x56: {  	_ =	shalt  }
0x57: {  	_ =	shalt  }
0x58: {  	_ =	shalt  }
0x59: {  	_ =	shalt  }
0x5a: {  	_ =	shalt  }
0x5b: {  	_ =	shalt  }
0x5c: {  	_ =	shalt  }
0x5d: {  	_ =	shalt  }
0x5e: {  	_ =	shalt  }
0x5f: {  	_ =	shalt  }
0x60: {  	_ =	shalt  }
0x61: {  	_ =	shalt  }
0x62: {  	_ =	shalt  }
0x63: {  	_ =	shalt  }
0x64: {  	_ =	shalt  }
0x65: {  	_ =	shalt  }
0x66: {  	_ =	shalt  }
0x67: {  	_ =	shalt  }
0x68: {  	_ =	shalt  }
0x69: {  	_ =	shalt  }
0x6a: {  	_ =	shalt  }
0x6b: {  	_ =	shalt  }
0x6c: {  	_ =	shalt  }
0x6d: {  	_ =	shalt  }
0x6e: {  	_ =	shalt  }
0x6f: {  	_ =	shalt  }
0x70: {  	_ =	shalt  }
0x71: {  	_ =	shalt  }
0x72: {  	_ =	shalt  }
0x73: {  	_ =	shalt  }
0x74: {  	_ =	shalt  }
0x75: {  	_ =	shalt  }
0x76: {  	_ =	shalt  }
0x77: {  	_ =	shalt  }
0x78: {  	_ =	shalt  }
0x79: {  	_ =	shalt  }
0x7a: {  	_ =	shalt  }
0x7b: {  	_ =	shalt  }
0x7c: {  	_ =	shalt  }
0x7d: {  	_ =	shalt  }
0x7e: {  	_ =	shalt  }
0x7f: {  	_ =	shalt  }
0x80: {  	_ =	shalt  }
0x81: {  	_ =	shalt  }
0x82: {  	_ =	shalt  }
0x83: {  	_ =	shalt  }
0x84: {  	_ =	shalt  }
0x85: {  	_ =	shalt  }
0x86: {  	_ =	shalt  }
0x87: {  	_ =	shalt  }
.Lfunc_end0:
.L_simem_size_0:
called_computation_lowered:
.L_overlay_start_0:
0x88: {  	s2 =	sld [smem:$0x3FD9]  }
0x89: {  	s3 =	sld [smem:$0x3FFE];
	_ =	sdelay $0x1  }
0x8a: {  	s1 =	srdreg.scid  }
0x8b: {  	s0 =	sand.u32 $0x1, s1  }
0x8c: {  	s15 =	sshll.u32 s0, $0xA;
	s2 =	sadd.s32 s3, s2  }
0x8d: {  	s2 =	sadd.s32 s2, s15  }
0x8e: {  	[smem:$0x3FC6] =	sst s2  }
0x8f: {  	_ = 	snop  }
0x90: {  	s2 =	sld [smem:$0x3FD0];
	_ =	sdelay $0x2  }
0x91: {  	s4 =	simm.s32 $0xA;
	s5 =	simm.s32 $0x10;
	s16 =	sld [smem:$0x3FC9]  }
0x92: {  	[smem:s5], [sflag:s4] =	dma.local [hbm:s2], $0x1  }
0x93: {  	_ =	swait.eq [sflag:s4], $0x1  }
0x94: {  	[sflag:s4] =	ssyncset.done $0x0  }
0x95: {  	[sflag:s4] =	ssyncadd.s32 $0xFFFFFFFF  }
0x96: {  	s17 =	sld [smem:$0x10];
	(tm) =	ssettm $0x1  }
0x97: {  	s18 =	sld [smem:$0x3FFB];
	_ =	sdelay $0x3  }
0x98: {  	_ =	strace s18  }
0x99: {  	s4 =	sld [smem:$0x3FFC];
	_ =	sdelay $0x3  }
0x9a: {  	_ =	strace s4  }
0x9b: {  	s4 =	sld [smem:$0x3FFD];
	_ =	sdelay $0x3  }
0x9c: {  	_ =	strace s4  }
0x9d: {  	_ =	strace $0x8FFFFFFF  }
0x9e: {  	s19 =	sld [smem:$0x3FDB];
	_ =	sdelay $0x1  }
0x9f: {  	s20 =	simm.s32 $_scs_section_size  }
0xa0: {  	s6 =	simm.s32 $_size__tile_overlayer_lowered;
	s7 =	simm.s32 $_tile_overlayer_lowered  }
0xa1: {  	s23 =	simm.s32 $0x1BFF;
	s22 =	sshll.u32 s7, $0x1;
	s4 =	sadd.s32 s20, s19  }
0xa2: {  	s8 =	simm.s32 $0x0;
	s21 =	sshll.u32 s6, $0x1;
	s6 =	sadd.s32 s22, s4  }
0xa3: {  	[timem:s8], [sflag:s23] =	dma.local [hbm:s6], s21  }
0xa4: {  	_ =	swait.ge [sflag:s23], s21  }
0xa5: {  	s5 =	ssub.s32 $0x0, s21;
	[sflag:s23] =	ssyncset.done $0x0  }
0xa6: {  	[sflag:s23] =	ssyncadd.s32 s5;
	_ =	sdelay $0x1  }
0xa7: {  	s24 =	simm.s32 $0x1B8B  }
0xa8: {  	_ =	swait.ge [sflag:s24], $0x1  }
0xa9: {  	[sflag:s24] =	ssyncset.done $0x0  }
0xaa: {  	s25 =	simm.s32 $0x1B8E;
	[sflag:s24] =	ssyncadd.s32 $0xFFFFFFFF  }
0xab: {  	s26 =	simm.s32 $execute0_lowered;
	[smem:$0x3FD2] =	sst s25  }
0xac: {  	s5 =	sshll.u32 s26, $0x1;
	_ =	strace $0x80000046;
	[dreg:$0x1] =	wrdreg $0xFFFFFFFF  }
0xad: {  	s28 =	simm.s32 $_size_execute0_lowered;
	s4 =	sadd.s32 s4, s5;
	[dreg:$0x0] =	wrdreg $0x0  }
0xae: {  	s5 =	sshll.u32 s28, $0x1;
	[dreg:$0x2] =	wrdreg s4  }
0xaf: {  	[dreg:$0x3] =	wrdreg s5  }
0xb0: {  	[dreg:$0x4] =	wrdreg $0xC0  }
0xb1: {  	_ =	task [dreg:s8], $0x5FFFF  }
0xb2: {  	[dreg:$0x1] =	wrdreg $0xFFFFFFFF  }
0xb3: {  	[dreg:$0x0] =	wrdreg $0x60  }
0xb4: {  	[dreg:$0x2] =	wrdreg s16  }
0xb5: {  	[dreg:$0x3] =	wrdreg s17  }
0xb6: {  	[dreg:$0x4] =	wrdreg $0x9  }
0xb7: {  	_ =	task.clear_ibuf [dreg:s8], $0x5FFFF;
	_ =	strace $0x90000046  }
0xb8: {  	s29 =	simm.s32 $0x9;
	_ =	strace $0x80000048  }
0xb9: {  	_ =	swait.ge [sflag:s29], $0x1  }
0xba: {  	[sflag:s29] =	ssyncadd.s32 $0xFFFFFFFF  }
0xbb: {  	_ =	strace $0x90000048  }
0xbc: {  	_ =	sfence  }
0xbd: {  	s30 =	sld [smem:$0x0];
	_ =	sdelay $0x2  }
0xbe: {  	s31 =	sshll.u32 s1, $0xD;
	s1 =	sshrl.u32 s1, $0x2  }
0xbf: {  	s3 =	sand.u32 $0x4000, s31;
	s1 =	sadd.s32 s1, s30  }
0xc0: {  	s0 =	sor.u32 s3, s0;
	s1 =	sshll.u32 s1, $0x11  }
0xc1: {  	s0 =	sor.u32 s1, s0  }
0xc2: {  	s0 =	sadd.s32 $0x8F2B, s0  }
0xc3: {  	[sflag:s0] =	ssyncadd.remote.s32 $0x1  }
0xc4: {  	_ =	sfence.sel $0xFFFF  }
0xc5: {  	[dreg:$0x0] =	wrdreg $0xFFFFFFFF;
	(pc) =	sbr.abs _section_cstart, $3  }
0xc6: {  	[dreg:$0x1] =	wrdreg $0xFFFFFFFF  }
0xc7: {  	_ =	task.clear_ibuf [dreg:s8], $0x2FFFF;
	_ =	strace $0x9FFFFFFF  }
0xc8: {  	(tm) =	ssettm $0x7FFFFFFF  }
0xc9: {  	_ =	shalt  }
tec
execute0_lowered:
.L_overlay_start_1:
0x0: {  	(tag) =	ssettag $0x1  }
0x1: {  	s1 =	stileid.u32  }
0x2: {  	p0 =	sgt.u32 s1, $0xC  }
.Ltmp0:
0x3: {  	_ = 	snop;
	(pc) =	sbr.rel @p0 .LBB2_13-.Ltmp0, $4  }
0x4: {  	s2 =	rddreg [dreg:$0x0]  }
0x5: {  	s6 =	rddreg [dreg:$0x1];
	s3 =	simm.s32 $0x0  }
0x6: {  	[smem:$0x7FF] =	sst s3  }
0x7: {  	s0 =	rddreg [dreg:$0x2];
	_ =	strace $0x80000047  }
0x8: {  	s4 =	srdreg.scid;
	s31 =	sshll.u32 s1, $0x1;
	s11 =	simm.s32 $0x1000  }
0x9: {  	s12 =	simm.s32 $0x1;
	s13 =	simm.s32 $0x2000;
	s5 =	sand.u32 $0x1, s4  }
0xa: {  	s14 =	simm.s32 $0x2;
	s15 =	simm.s32 $0x3;
	s7 =	sor.u32 s5, s31  }
0xb: {  	s9 =	ssub.s32 $0x2, s5;
	s4 =	sadd.s32 $0x6, s7;
	s7 =	smul.u32 $0x30E0, s7  }
0xc: {  	s10 =	sshrl.u32 s9, $0x1;
	s8 =	sshll.u32 s4, $0xC;
	s4 =	sshll.u32 s4, $0x7  }
0xd: {  	s16 =	simm.s32 $0x0;
	s9 =	ssub.s32 s9, s10;
	s4 =	sor.u32 s4, s8  }
0xe: {  	s10 =	simm.s32 $0x400;
	s6 =	sadd.s32 s6, s7;
	s8 =	sand.u32 $0x38380, s4  }
0xf: {  	s4 =	sadd.s32 $0x20000, s8;
	s5 =	sor.u32 $0x40000, s8;
	s8 =	sshrl.u32 s8, $0x3  }
0x10: {  	v0 =	vimm.s32 $0x0;
	s7 =	sadd.s32 s2, s8;
	s8 =	smax.u32 s9, $0x1;
	s9 =	simm.s32 $0x80  }
.LBB2_2:
0x11: {  	s17 =	simm.s32 $0x2080  }
0x12: {  	[tilespmem:s17+$0xFFFFFF80] =	vst v0  }
0x13: {  	[tilespmem:s17+$0x70] =	vst v0  }
0x14: {  	[tilespmem:s17+$0x60] =	vst v0  }
0x15: {  	[tilespmem:s17+$0x50] =	vst v0  }
0x16: {  	[tilespmem:s17+$0x40] =	vst v0  }
0x17: {  	[tilespmem:s17+$0x30] =	vst v0  }
0x18: {  	[tilespmem:s17+$0x20] =	vst v0  }
0x19: {  	[tilespmem:s17+$0x10] =	vst v0  }
0x1a: {  	[tilespmem:s17+$0x0] =	vst v0  }
0x1b: {  	[tilespmem:s17+$0xFFFFFFF0] =	vst v0  }
0x1c: {  	[tilespmem:s17+$0xFFFFFFE0] =	vst v0  }
0x1d: {  	[tilespmem:s17+$0xFFFFFFD0] =	vst v0  }
0x1e: {  	[tilespmem:s17+$0xFFFFFFC0] =	vst v0  }
0x1f: {  	[tilespmem:s17+$0xFFFFFFB0] =	vst v0  }
0x20: {  	s18 =	simm.s32 $0x0;
	[tilespmem:s17+$0xFFFFFFA0] =	vst v0  }
.LBB2_3:
0x21: {  	s18 =	sadd.s32 $0x10, s18;
	[tilespmem:s17+$0xFFFFFF90] =	vst v0;
	s17 =	sadd.s32 $0x100, s17  }
0x22: {  	[tilespmem:s17+$0xFFFFFF80] =	vst v0;
	p0 =	slt.u32 s18, $0x1850  }
0x23: {  	[tilespmem:s17+$0x70] =	vst v0  }
0x24: {  	[tilespmem:s17+$0x60] =	vst v0  }
0x25: {  	[tilespmem:s17+$0x50] =	vst v0  }
0x26: {  	[tilespmem:s17+$0x40] =	vst v0  }
0x27: {  	[tilespmem:s17+$0x30] =	vst v0  }
0x28: {  	[tilespmem:s17+$0x20] =	vst v0  }
0x29: {  	[tilespmem:s17+$0x10] =	vst v0  }
0x2a: {  	[tilespmem:s17+$0x0] =	vst v0  }
0x2b: {  	[tilespmem:s17+$0xFFFFFFF0] =	vst v0  }
.Ltmp1:
0x2c: {  	[tilespmem:s17+$0xFFFFFFE0] =	vst v0;
	(pc) =	sbr.rel @p0 .LBB2_3-.Ltmp1, $4  }
0x2d: {  	[tilespmem:s17+$0xFFFFFFD0] =	vst v0  }
0x2e: {  	[tilespmem:s17+$0xFFFFFFC0] =	vst v0  }
0x2f: {  	[tilespmem:s17+$0xFFFFFFB0] =	vst v0  }
0x30: {  	[tilespmem:s17+$0xFFFFFFA0] =	vst v0  }
0x31: {  	[tilespmem:s17+$0xFFFFFF90] =	vst v0;
	s17 =	simm.s32 $0x0  }
.LBB2_5:
0x32: {  	p0 =	sne.s32 s17, $0x240  }
.Ltmp2:
0x33: {  	_ = 	snop;
	(pc) =	sbr.rel @p0 .LBB2_5-.Ltmp2, $3  }
0x34: {  	_ =	sdelay $0x1  }
0x35: {  	s18 =	sshra.s32 s17, $0x2  }
0x36: {  	s17 =	sadd.s32 $0x40, s17;
	[tilespmem:s18+$0x1A600] =	vst v0  }
0x37: {  	s17 =	simm.s32 $0x0  }
0x38: {  	[tilespmem:s17], [sflag:$0x1] =	stream.strided.gather [hbm4b:s7+s9], $0x1000, s10, s9, $0x38;
	[tilespmem:$0x1A700] =	vst v63  }
.LBB2_7:
0x39: {  	s18 =	sshll.u32 s17, $0x12  }
0x3a: {  	s18 =	sadd.s32 s18, s4  }
0x3b: {  	s18 =	sshrl.u32 s18, $0x3  }
0x3c: {  	s18 =	sadd.s32 s2, s18  }
0x3d: {  	[tilespmem:s11], [sflag:$0x2] =	stream.strided.gather [hbm4b:s18+s9], $0x1000, s10, s9, $0x38;
	[tilespmem:$0x1A700] =	vst v63  }
0x3e: {  	_ =	swait.ge [sflag:s12], $0x1000  }
0x3f: {  	[sflag:s12] =	ssyncset.done $0x0  }
0x40: {  	s30 =	simm.s32 $0x40;
	[sflag:s12] =	ssyncadd.s32 $0xFFFFF000  }
0x41: {  	v1 =	vld [tilespmem:s30+$0x30]  }
0x42: {  	v2 =	vld [tilespmem:s30+$0xFFFFFFD0]  }
0x43: {  	v3 =	vld [tilespmem:s30+$0xFFFFFFE0]  }
0x44: {  	v4 =	vld [tilespmem:s30+$0xFFFFFFF0];
	_ =	sdelay $0x1  }
0x45: {  	v1 =	vtrunc.f32 v1  }
0x46: {  	v5 =	vld [tilespmem:s30+$0x0];
	v2 =	vtrunc.f32 v2;
	v11 =	vcvt.f32.s32 v1  }
0x47: {  	v1 =	vld [tilespmem:s30+$0x10];
	v12 =	vcvt.f32.s32 v2;
	v2 =	vtrunc.f32 v3  }
0x48: {  	v3 =	vld [tilespmem:s30+$0x20];
	v15 =	vcvt.f32.s32 v2;
	v2 =	vtrunc.f32 v4;
	(xrf1) =	vunique.msk.u32 $0xffff, v11  }
0x49: {  	v4 =	vld [tilespmem:s30+$0xFFFFFFC0];
	v17 =	vcvt.f32.s32 v2;
	(xrf1) =	vunique.msk.u32 $0xffff, v12  }
0x4a: {  	(xrf1) =	vunique.msk.u32 $0xffff, v15  }
0x4b: {  	v2 =	vtrunc.f32 v5;
	(xrf1) =	vunique.msk.u32 $0xffff, v17  }
0x4c: {  	v8 =	vcvt.f32.s32 v2;
	v1 =	vtrunc.f32 v1  }
0x4d: {  	s31 =	simm.s32 $0xC0;
	v9 =	vcvt.f32.s32 v1;
	v1 =	vtrunc.f32 v3  }
0x4e: {  	v7 =	vld [tilespmem:s31+$0xFFFFFFF0];
	v2 =	vtrunc.f32 v4;
	(xrf1) =	vunique.msk.u32 $0xffff, v8;
	v1 =	vcvt.f32.s32 v1  }
0x4f: {  	v3 =	vld [tilespmem:s31+$0x30];
	v2 =	vcvt.f32.s32 v2;
	(xrf1) =	vunique.msk.u32 $0xffff, v9  }
0x50: {  	v4 =	vld [tilespmem:s31+$0xFFFFFFD0];
	(xrf1) =	vunique.msk.u32 $0xffff, v1  }
0x51: {  	v5 =	vld [tilespmem:s31+$0xFFFFFFE0];
	(xrf1) =	vunique.msk.u32 $0xffff, v2  }
0x52: {  	v10 =	vld [tilespmem:s31+$0x0]  }
0x53: {  	v13 =	vld [tilespmem:s31+$0x10]  }
0x54: {  	v3 =	vtrunc.f32 v3  }
0x55: {  	v6 =	vtrunc.f32 v4;
	v4 =	vcvt.f32.s32 v3  }
0x56: {  	v14 =	vld [tilespmem:s31+$0x20];
	v6 =	vcvt.f32.s32 v6;
	v3 =	vtrunc.f32 v5;
	_, v16, vm1 =	vpop (xrf1)  }
0x57: {  	v18 =	vld [tilespmem:s31+$0xFFFFFFC0];
	v5 =	vtrunc.f32 v7;
	v7 =	vtrunc.f32 v10;
	_, v19, vm2 =	vpop (xrf1)  }
0x58: {  	v10 =	vtrunc.f32 v13;
	v3 =	vcvt.f32.s32 v3;
	(xrf1) =	vunique.msk.u32 $0xffff, v4;
	_, v20, vm3 =	vpop (xrf1)  }
0x59: {  	v5 =	vcvt.f32.s32 v5;
	(xrf1) =	vunique.msk.u32 $0xffff, v6;
	_, v21, vm4 =	vpop (xrf1)  }
0x5a: {  	v7 =	vcvt.f32.s32 v7;
	(xrf1) =	vunique.msk.u32 $0xffff, v3  }
0x5b: {  	v14 =	vtrunc.f32 v14;
	v13 =	vcvt.f32.s32 v10;
	(xrf1) =	vunique.msk.u32 $0xffff, v5  }
0x5c: {  	v18 =	vtrunc.f32 v18;
	v14 =	vcvt.f32.s32 v14;
	_, v10, vm0 =	vpop (xrf1);
	(xrf1) =	vunique.msk.u32 $0xffff, v7;
	[tilespmem:v11+s13+$0x0] =	vst.idx.add.s32.msk vm1, v16  }
0x5d: {  	(xrf1) =	vunique.msk.u32 $0xffff, v13;
	_, v11, vm1 =	vpop (xrf1);
	v16 =	vcvt.f32.s32 v18;
	[tilespmem:v12+s13+$0x0] =	vst.idx.add.s32.msk vm2, v19  }
0x5e: {  	(xrf1) =	vunique.msk.u32 $0xffff, v14;
	_, v12, vm2 =	vpop (xrf1);
	[tilespmem:v15+s13+$0x0] =	vst.idx.add.s32.msk vm3, v20  }
0x5f: {  	s19 =	simm.s32 $0x140;
	s18 =	simm.s32 $0x8;
	_, v15, vm3 =	vpop (xrf1);
	(xrf1) =	vunique.msk.u32 $0xffff, v16;
	[tilespmem:v17+s13+$0x0] =	vst.idx.add.s32.msk vm4, v21  }
.LBB2_8:
0x60: {  	v17 =	vld [tilespmem:s19+$0x30];
	s18 =	sadd.s32 $0x8, s18;
	v18 =	vmovc v13;
	v19 =	vmovc v1;
	v1 =	vmov v14;
	v13 =	vmov v2;
	v2 =	vmov v16  }
0x61: {  	v14 =	vld [tilespmem:s19+$0xFFFFFFD0];
	p0 =	slt.u32 s18, $0xF8  }
0x62: {  	v16 =	vld [tilespmem:s19+$0xFFFFFFE0]  }
0x63: {  	v20 =	vld [tilespmem:s19+$0xFFFFFFF0]  }
0x64: {  	v21 =	vld [tilespmem:s19+$0x0]  }
0x65: {  	v22 =	vld [tilespmem:s19+$0x10];
	v17 =	vtrunc.f32 v17  }
0x66: {  	v14 =	vtrunc.f32 v14;
	v23 =	vld [tilespmem:s19+$0x20];
	v17 =	vcvt.f32.s32 v17;
	_, v24, vm7 =	vpop (xrf1)  }
0x67: {  	v25 =	vld [tilespmem:s19+$0xFFFFFFC0];
	v26 =	vcvt.f32.s32 v14;
	v14 =	vtrunc.f32 v16;
	_, v27, vm5 =	vpop (xrf1)  }
0x68: {  	v28 =	vcvt.f32.s32 v14;
	v14 =	vtrunc.f32 v20;
	(xrf1) =	vunique.msk.u32 $0xffff, v17;
	_, v20, vm6 =	vpop (xrf1);
	[tilespmem:v13+s13+$0x0] =	vst.idx.add.s32.msk vm3, v15  }
0x69: {  	v29 =	vcvt.f32.s32 v14;
	v13 =	vtrunc.f32 v21;
	(xrf1) =	vunique.msk.u32 $0xffff, v26;
	_, v21, vm4 =	vpop (xrf1);
	[tilespmem:v8+s13+$0x0] =	vst.idx.add.s32.msk vm0, v10  }
0x6a: {  	v30 =	vcvt.f32.s32 v13;
	v8 =	vtrunc.f32 v22;
	(xrf1) =	vunique.msk.u32 $0xffff, v28;
	_, v10, vm0 =	vpop (xrf1);
	[tilespmem:v9+s13+$0x0] =	vst.idx.add.s32.msk vm1, v11  }
.Ltmp3:
0x6b: {  	v13 =	vcvt.f32.s32 v8;
	v8 =	vtrunc.f32 v23;
	(xrf1) =	vunique.msk.u32 $0xffff, v29;
	_, v11, vm1 =	vpop (xrf1);
	[tilespmem:v19+s13+$0x0] =	vst.idx.add.s32.msk vm2, v12;
	(pc) =	sbr.rel @p0 .LBB2_8-.Ltmp3, $4  }
0x6c: {  	v9 =	vtrunc.f32 v25;
	v14 =	vcvt.f32.s32 v8;
	(xrf1) =	vunique.msk.u32 $0xffff, v30;
	[tilespmem:v4+s13+$0x0] =	vst.idx.add.s32.msk vm7, v24;
	_, v12, vm2 =	vpop (xrf1)  }
0x6d: {  	v4 =	vmov v17;
	v16 =	vcvt.f32.s32 v9;
	(xrf1) =	vunique.msk.u32 $0xffff, v13;
	[tilespmem:v6+s13+$0x0] =	vst.idx.add.s32.msk vm5, v27;
	_, v15, vm3 =	vpop (xrf1)  }
0x6e: {  	v6 =	vmovc v26;
	(xrf1) =	vunique.msk.u32 $0xffff, v14;
	[tilespmem:v3+s13+$0x0] =	vst.idx.add.s32.msk vm6, v20;
	v3 =	vmov v28;
	v8 =	vmov v7  }
0x6f: {  	s19 =	sadd.s32 $0x80, s19;
	v7 =	vmovc v30;
	(xrf1) =	vunique.msk.u32 $0xffff, v16;
	[tilespmem:v5+s13+$0x0] =	vst.idx.add.s32.msk vm4, v21;
	v5 =	vmov v29;
	v9 =	vmov v18  }
0x70: {  	_ =	sdelay $0x5  }
0x71: {  	_, v17, vm4 =	vpop (xrf1)  }
0x72: {  	_, v18, vm5 =	vpop (xrf1)  }
0x73: {  	[tilespmem:v2+s13+$0x0] =	vst.idx.add.s32.msk vm3, v15;
	_, v19, vm6 =	vpop (xrf1)  }
0x74: {  	[tilespmem:v8+s13+$0x0] =	vst.idx.add.s32.msk vm0, v10;
	_, v20, vm7 =	vpop (xrf1)  }
0x75: {  	[tilespmem:v9+s13+$0x0] =	vst.idx.add.s32.msk vm1, v11;
	_, v21, vm8 =	vpop (xrf1)  }
0x76: {  	[tilespmem:v1+s13+$0x0] =	vst.idx.add.s32.msk vm2, v12;
	_, v2, vm3 =	vpop (xrf1)  }
0x77: {  	_, v8, vm0 =	vpop (xrf1);
	[tilespmem:v4+s13+$0x0] =	vst.idx.add.s32.msk vm4, v17  }
0x78: {  	_, v9, vm1 =	vpop (xrf1);
	[tilespmem:v6+s13+$0x0] =	vst.idx.add.s32.msk vm5, v18  }
0x79: {  	s18 =	sshll.u32 s17, $0x1;
	[tilespmem:v3+s13+$0x0] =	vst.idx.add.s32.msk vm6, v19  }
0x7a: {  	s18 =	smin.u32 s18, $0x2F;
	[tilespmem:v5+s13+$0x0] =	vst.idx.add.s32.msk vm7, v20  }
0x7b: {  	s18 =	sshll.u32 s18, $0x11;
	[tilespmem:v7+s13+$0x0] =	vst.idx.add.s32.msk vm8, v21  }
0x7c: {  	s18 =	sadd.s32 s18, s5;
	[tilespmem:v13+s13+$0x0] =	vst.idx.add.s32.msk vm3, v2  }
0x7d: {  	s18 =	sshrl.u32 s18, $0x3;
	[tilespmem:v14+s13+$0x0] =	vst.idx.add.s32.msk vm0, v8  }
0x7e: {  	s18 =	sadd.s32 s2, s18;
	[tilespmem:v16+s13+$0x0] =	vst.idx.add.s32.msk vm1, v9  }
0x7f: {  	[tilespmem:s3], [sflag:$0x1] =	stream.strided.gather [hbm4b:s18+s9], $0x1000, s10, s9, $0x38;
	[tilespmem:$0x1A700] =	vst v63  }
0x80: {  	_ =	swait.ge [sflag:s14], $0x1000  }
0x81: {  	[sflag:s14] =	ssyncset.done $0x0  }
0x82: {  	s30 =	simm.s32 $0x1070;
	[sflag:s14] =	ssyncadd.s32 $0xFFFFF000  }
0x83: {  	v1 =	vld [tilespmem:s30+$0x0]  }
0x84: {  	v2 =	vld [tilespmem:s30+$0xFFFFFFA0]  }
0x85: {  	v3 =	vld [tilespmem:s30+$0xFFFFFFB0]  }
0x86: {  	v4 =	vld [tilespmem:s30+$0xFFFFFFC0];
	_ =	sdelay $0x1  }
0x87: {  	v1 =	vtrunc.f32 v1  }
0x88: {  	v5 =	vld [tilespmem:s30+$0xFFFFFFD0];
	v2 =	vtrunc.f32 v2;
	v11 =	vcvt.f32.s32 v1  }
0x89: {  	v1 =	vld [tilespmem:s30+$0xFFFFFFE0];
	v12 =	vcvt.f32.s32 v2;
	v2 =	vtrunc.f32 v3  }
0x8a: {  	v3 =	vld [tilespmem:s30+$0xFFFFFFF0];
	v15 =	vcvt.f32.s32 v2;
	v2 =	vtrunc.f32 v4;
	(xrf1) =	vunique.msk.u32 $0xffff, v11  }
0x8b: {  	v4 =	vld [tilespmem:s30+$0xFFFFFF90];
	v17 =	vcvt.f32.s32 v2;
	(xrf1) =	vunique.msk.u32 $0xffff, v12  }
0x8c: {  	(xrf1) =	vunique.msk.u32 $0xffff, v15  }
0x8d: {  	v2 =	vtrunc.f32 v5;
	(xrf1) =	vunique.msk.u32 $0xffff, v17  }
0x8e: {  	v7 =	vcvt.f32.s32 v2;
	v1 =	vtrunc.f32 v1  }
0x8f: {  	s31 =	simm.s32 $0x10F0;
	v8 =	vcvt.f32.s32 v1;
	v1 =	vtrunc.f32 v3  }
0x90: {  	v6 =	vld [tilespmem:s31+$0xFFFFFFB0];
	v2 =	vtrunc.f32 v4;
	(xrf1) =	vunique.msk.u32 $0xffff, v7;
	v1 =	vcvt.f32.s32 v1  }
0x91: {  	v3 =	vld [tilespmem:s31+$0x0];
	v2 =	vcvt.f32.s32 v2;
	(xrf1) =	vunique.msk.u32 $0xffff, v8  }
0x92: {  	v4 =	vld [tilespmem:s31+$0xFFFFFFA0];
	(xrf1) =	vunique.msk.u32 $0xffff, v1  }
0x93: {  	v9 =	vld [tilespmem:s31+$0xFFFFFFC0];
	(xrf1) =	vunique.msk.u32 $0xffff, v2  }
0x94: {  	v10 =	vld [tilespmem:s31+$0xFFFFFFD0]  }
0x95: {  	v13 =	vld [tilespmem:s31+$0xFFFFFFE0]  }
0x96: {  	v3 =	vtrunc.f32 v3  }
0x97: {  	v5 =	vtrunc.f32 v4;
	v4 =	vcvt.f32.s32 v3  }
0x98: {  	v14 =	vld [tilespmem:s31+$0xFFFFFFF0];
	v5 =	vcvt.f32.s32 v5;
	v3 =	vtrunc.f32 v6;
	_, v16, vm1 =	vpop (xrf1)  }
0x99: {  	v18 =	vld [tilespmem:s31+$0xFFFFFF90];
	v6 =	vtrunc.f32 v9;
	v9 =	vtrunc.f32 v10;
	_, v19, vm2 =	vpop (xrf1)  }
0x9a: {  	v10 =	vtrunc.f32 v13;
	v3 =	vcvt.f32.s32 v3;
	(xrf1) =	vunique.msk.u32 $0xffff, v4;
	_, v62, vm3 =	vpop (xrf1)  }
0x9b: {  	v6 =	vcvt.f32.s32 v6;
	(xrf1) =	vunique.msk.u32 $0xffff, v5;
	_, v63, vm4 =	vpop (xrf1)  }
0x9c: {  	v9 =	vcvt.f32.s32 v9;
	(xrf1) =	vunique.msk.u32 $0xffff, v3  }
0x9d: {  	v14 =	vtrunc.f32 v14;
	v13 =	vcvt.f32.s32 v10;
	(xrf1) =	vunique.msk.u32 $0xffff, v6  }
0x9e: {  	v18 =	vtrunc.f32 v18;
	v14 =	vcvt.f32.s32 v14;
	(xrf1) =	vunique.msk.u32 $0xffff, v9;
	_, v10, vm0 =	vpop (xrf1);
	[tilespmem:v11+s13+$0x0] =	vst.idx.add.s32.msk vm1, v16  }
0x9f: {  	_, v11, vm1 =	vpop (xrf1);
	v16 =	vcvt.f32.s32 v18;
	(xrf1) =	vunique.msk.u32 $0xffff, v13;
	[tilespmem:v12+s13+$0x0] =	vst.idx.add.s32.msk vm2, v19  }
0xa0: {  	_, v12, vm2 =	vpop (xrf1);
	(xrf1) =	vunique.msk.u32 $0xffff, v14;
	[tilespmem:v15+s13+$0x0] =	vst.idx.add.s32.msk vm3, v62  }
0xa1: {  	s19 =	simm.s32 $0x1170;
	s18 =	simm.s32 $0x8;
	_, v15, vm3 =	vpop (xrf1);
	(xrf1) =	vunique.msk.u32 $0xffff, v16;
	[tilespmem:v17+s13+$0x0] =	vst.idx.add.s32.msk vm4, v63  }
.LBB2_10:
0xa2: {  	v17 =	vld [tilespmem:s19+$0x0];
	s18 =	sadd.s32 $0x8, s18;
	v18 =	vmovc v13;
	v19 =	vmovc v1;
	v1 =	vmov v14;
	v13 =	vmov v2;
	v2 =	vmov v16  }
0xa3: {  	v14 =	vld [tilespmem:s19+$0xFFFFFFA0];
	p0 =	slt.u32 s18, $0xF8  }
0xa4: {  	v16 =	vld [tilespmem:s19+$0xFFFFFFB0]  }
0xa5: {  	v20 =	vld [tilespmem:s19+$0xFFFFFFC0]  }
0xa6: {  	v21 =	vld [tilespmem:s19+$0xFFFFFFD0]  }
0xa7: {  	v22 =	vld [tilespmem:s19+$0xFFFFFFE0];
	v17 =	vtrunc.f32 v17  }
0xa8: {  	v14 =	vtrunc.f32 v14;
	v23 =	vld [tilespmem:s19+$0xFFFFFFF0];
	v17 =	vcvt.f32.s32 v17;
	_, v24, vm7 =	vpop (xrf1)  }
0xa9: {  	v25 =	vld [tilespmem:s19+$0xFFFFFF90];
	v26 =	vcvt.f32.s32 v14;
	v14 =	vtrunc.f32 v16;
	_, v27, vm5 =	vpop (xrf1)  }
0xaa: {  	v28 =	vcvt.f32.s32 v14;
	v14 =	vtrunc.f32 v20;
	(xrf1) =	vunique.msk.u32 $0xffff, v17;
	_, v20, vm6 =	vpop (xrf1);
	[tilespmem:v13+s13+$0x0] =	vst.idx.add.s32.msk vm3, v15  }
0xab: {  	v29 =	vcvt.f32.s32 v14;
	v13 =	vtrunc.f32 v21;
	(xrf1) =	vunique.msk.u32 $0xffff, v26;
	_, v21, vm4 =	vpop (xrf1);
	[tilespmem:v7+s13+$0x0] =	vst.idx.add.s32.msk vm0, v10  }
0xac: {  	v30 =	vcvt.f32.s32 v13;
	v7 =	vtrunc.f32 v22;
	(xrf1) =	vunique.msk.u32 $0xffff, v28;
	_, v10, vm0 =	vpop (xrf1);
	[tilespmem:v8+s13+$0x0] =	vst.idx.add.s32.msk vm1, v11  }
.Ltmp4:
0xad: {  	v13 =	vcvt.f32.s32 v7;
	v7 =	vtrunc.f32 v23;
	(xrf1) =	vunique.msk.u32 $0xffff, v29;
	_, v11, vm1 =	vpop (xrf1);
	[tilespmem:v19+s13+$0x0] =	vst.idx.add.s32.msk vm2, v12;
	(pc) =	sbr.rel @p0 .LBB2_10-.Ltmp4, $4  }
0xae: {  	v8 =	vtrunc.f32 v25;
	v14 =	vcvt.f32.s32 v7;
	(xrf1) =	vunique.msk.u32 $0xffff, v30;
	[tilespmem:v4+s13+$0x0] =	vst.idx.add.s32.msk vm7, v24;
	_, v12, vm2 =	vpop (xrf1)  }
0xaf: {  	v4 =	vmov v17;
	v16 =	vcvt.f32.s32 v8;
	(xrf1) =	vunique.msk.u32 $0xffff, v13;
	[tilespmem:v5+s13+$0x0] =	vst.idx.add.s32.msk vm5, v27;
	_, v15, vm3 =	vpop (xrf1)  }
0xb0: {  	v5 =	vmovc v26;
	(xrf1) =	vunique.msk.u32 $0xffff, v14;
	[tilespmem:v3+s13+$0x0] =	vst.idx.add.s32.msk vm6, v20;
	v3 =	vmov v28;
	v7 =	vmov v9  }
0xb1: {  	s19 =	sadd.s32 $0x80, s19;
	v9 =	vmovc v30;
	(xrf1) =	vunique.msk.u32 $0xffff, v16;
	[tilespmem:v6+s13+$0x0] =	vst.idx.add.s32.msk vm4, v21;
	v6 =	vmov v29;
	v8 =	vmov v18  }
0xb2: {  	_ =	sdelay $0x5  }
0xb3: {  	_, v17, vm4 =	vpop (xrf1)  }
0xb4: {  	_, v18, vm5 =	vpop (xrf1)  }
0xb5: {  	[tilespmem:v2+s13+$0x0] =	vst.idx.add.s32.msk vm3, v15;
	_, v19, vm6 =	vpop (xrf1)  }
0xb6: {  	[tilespmem:v7+s13+$0x0] =	vst.idx.add.s32.msk vm0, v10;
	_, v20, vm7 =	vpop (xrf1)  }
0xb7: {  	[tilespmem:v8+s13+$0x0] =	vst.idx.add.s32.msk vm1, v11;
	_, v21, vm8 =	vpop (xrf1)  }
0xb8: {  	[tilespmem:v1+s13+$0x0] =	vst.idx.add.s32.msk vm2, v12;
	_, v2, vm3 =	vpop (xrf1)  }
0xb9: {  	_, v7, vm0 =	vpop (xrf1);
	[tilespmem:v4+s13+$0x0] =	vst.idx.add.s32.msk vm4, v17  }
0xba: {  	s17 =	sadd.s32 $0x1, s17;
	_, v8, vm1 =	vpop (xrf1);
	[tilespmem:v5+s13+$0x0] =	vst.idx.add.s32.msk vm5, v18  }
0xbb: {  	p0 =	sne.s32 s17, $0x19;
	[tilespmem:v3+s13+$0x0] =	vst.idx.add.s32.msk vm6, v19  }
.Ltmp5:
0xbc: {  	[tilespmem:v6+s13+$0x0] =	vst.idx.add.s32.msk vm7, v20;
	(pc) =	sbr.rel @p0 .LBB2_7-.Ltmp5, $4  }
0xbd: {  	[tilespmem:v9+s13+$0x0] =	vst.idx.add.s32.msk vm8, v21  }
0xbe: {  	[tilespmem:v13+s13+$0x0] =	vst.idx.add.s32.msk vm3, v2  }
0xbf: {  	[tilespmem:v14+s13+$0x0] =	vst.idx.add.s32.msk vm0, v7  }
0xc0: {  	[tilespmem:v16+s13+$0x0] =	vst.idx.add.s32.msk vm1, v8  }
0xc1: {  	_ =	swait.ge [sflag:s12], $0x1000;
	s16 =	sadd.s32 $0x1, s16  }
0xc2: {  	[sflag:s12] =	ssyncset.done $0x0;
	p0 =	sne.s32 s16, s8  }
.Ltmp6:
0xc3: {  	[sflag:s12] =	ssyncadd.s32 $0xFFFFF000;
	(pc) =	sbr.rel @p0 .LBB2_2-.Ltmp6, $4  }
0xc4: {  	[hbm4b:s6+s3] =	stream.linear.scatter [tilespmem:s13], [sflag:$0x3], $0x18700, $0x38;
	[tilespmem:$0x1A700] =	vst v63  }
0xc5: {  	_ =	swait.ge [sflag:s15], $0x18700  }
0xc6: {  	[sflag:s15] =	ssyncset.done $0x0  }
0xc7: {  	[sflag:s15] =	ssyncadd.s32 $0xFFFE7900  }
.LBB2_13:
0xc8: {  	_ =	sfence.sel $0x180000  }
0xc9: {  	[bflag:$0x0] =	sbarrier.arrive $0xFFFF  }
0xca: {  	p0 =	sne.s32 s1, $0x0;
	_ =	strace $0x90000047  }
0xcb: {  	s0 =	sadd.s32 @!p0 $0x100000, s0;
	[bflag:$0x2] =	sbarrier.arrive $0xFFFF  }
0xcc: {  	[sflag:s0] =	ssyncadd.tile.s32 @!p0 $0x1;
	_ =	shalt  }
.Lfunc_end2:
_tile_overlayer_lowered:
.L_overlay_start_2:
0xcd: {  	(tag) =	ssettag $0x2  }
0xce: {  	s0 =	rddreg [dreg:$0x0];
	s2 =	stileid.u32  }
0xcf: {  	s1 =	rddreg [dreg:$0x1];
	p0 =	sne.s32 s2, $0x0  }
0xd0: {  	s3 =	rddreg [dreg:$0x2];
	[bflag:$0x3] =	sbarrier.arrive $0xFFFF;
	s2 =	simm.s32 @!p0 $0x1C03  }
0xd1: {  	[timem:s3], [sflag:s2] =	dma.local @!p0 [hbm:s0], s1  }
0xd2: {  	s0 =	simm.s32 @!p0 $0x3  }
0xd3: {  	_ =	swait.ge @!p0 [sflag:s0], s1  }
0xd4: {  	s1 =	ssub.s32 @!p0 $0x0, s1;
	[sflag:s0] =	ssyncset.done @!p0 $0x0  }
0xd5: {  	[sflag:s0] =	ssyncadd.s32 @!p0 s1  }
0xd6: {  	[bflag:$0x3] =	sbarrier.arrive $0xFFFF  }
0xd7: {  	_ =	shalt  }

</sc_bundles>
